<compile_context>
chip_gen: v7x
topology: tpu7x:2x2x1
jax: 0.10.2.dev20260603
libtpu: 0.0.44.dev20260713+nightly
codegen_flags: <defaults>
</compile_context>

<pallas_src>
import functools

import jax
import jax.numpy as jnp
from jax import lax
from jax.experimental import pallas as pl
from jax.experimental.pallas import tpu as pltpu
from jax.experimental.pallas import tpu_sc as plsc

N = 10000
D = 128
H = 256
HH = 128
G = 64
L = 4
BN_EPS = 1e-5

NSC = 2
NSUB = 16
CHUNK = 128

R = 2560
EPAD = R * CHUNK
RW_DEG = R // (NSC * NSUB)
RS_PROP = R // NSUB
IGRP = 8
PGRP = 16
NBUF = 2

NPAD = 10240
ZROWS = NPAD // NSUB

BN_TC = 1000
BB = 1000

_mesh = plsc.VectorSubcoreMesh(core_axis_name="c", subcore_axis_name="s")


@jax.jit
def _sc_degree(dst2d):
    @functools.partial(
        pl.kernel,
        mesh=_mesh,
        out_type=jax.ShapeDtypeStruct((NSC, NPAD, HH), jnp.float32),
        scratch_types=[
            pltpu.VMEM((IGRP, CHUNK), jnp.int32),
            pltpu.VMEM((CHUNK, HH), jnp.float32),
            pltpu.VMEM((16, HH), jnp.float32),
            pltpu.VMEM_SHARED((NPAD, HH), jnp.float32),
        ],
    )
    def deg_k(dst_hbm, o_hbm, idxb, onesb, zb, acc):
        cid = lax.axis_index("c")
        sid = lax.axis_index("s")
        ones16 = jnp.ones((16,), jnp.float32)
        zero16 = jnp.zeros((16,), jnp.float32)

        @pl.loop(0, CHUNK)
        def _(i):
            @pl.loop(0, HH, step=16)
            def _(j):
                onesb[i, pl.ds(j, 16)] = ones16

        @pl.loop(0, 16)
        def _(i):
            @pl.loop(0, HH, step=16)
            def _(j):
                zb[i, pl.ds(j, 16)] = zero16

        zbase = sid * ZROWS

        @pl.loop(0, ZROWS, step=16)
        def _(i):
            pltpu.sync_copy(zb, acc.at[pl.ds(zbase + i, 16)])

        plsc.subcore_barrier()

        wid = cid * NSUB + sid
        rowbase = wid * RW_DEG

        @pl.loop(0, RW_DEG, step=IGRP)
        def _(g):
            pltpu.sync_copy(dst_hbm.at[pl.ds(rowbase + g, IGRP)], idxb)
            for j in range(IGRP):
                pltpu.sync_copy(onesb, acc.at[idxb.at[j]], add=True)

        plsc.subcore_barrier()
        wbase = sid * ZROWS
        pltpu.sync_copy(acc.at[pl.ds(wbase, ZROWS)],
                        o_hbm.at[cid, pl.ds(wbase, ZROWS)])

    return deg_k(dst2d)


@jax.jit
def _sc_prop(y0, y1, src2d, dst2d):
    @functools.partial(
        pl.kernel,
        mesh=_mesh,
        out_type=(
            jax.ShapeDtypeStruct((NPAD, HH), jnp.float32),
            jax.ShapeDtypeStruct((NPAD, HH), jnp.float32),
        ),
        scratch_types=[
            pltpu.VMEM((PGRP, CHUNK), jnp.int32),
            pltpu.VMEM((PGRP, CHUNK), jnp.int32),
            pltpu.VMEM((PGRP, CHUNK), jnp.int32),
            pltpu.VMEM((PGRP, CHUNK), jnp.int32),
            pltpu.VMEM((CHUNK, HH), jnp.float32),
            pltpu.VMEM((CHUNK, HH), jnp.float32),
            pltpu.VMEM((16, HH), jnp.float32),
            pltpu.VMEM_SHARED((NPAD, HH), jnp.float32),
            pltpu.SemaphoreType.DMA,
            pltpu.SemaphoreType.DMA,
            pltpu.SemaphoreType.DMA,
            pltpu.SemaphoreType.DMA,
            pltpu.SemaphoreType.DMA,
            pltpu.SemaphoreType.DMA,
        ],
    )
    def prop_k(y0_hbm, y1_hbm, src_hbm, dst_hbm, s0_hbm, s1_hbm,
               sib0, dib0, sib1, dib1, r0, r1, zb, acc,
               g0, g1, s0, s1, isem, zsem):
        cid = lax.axis_index("c")
        sid = lax.axis_index("s")
        rows = [r0, r1]
        gsem = [g0, g1]
        ssem = [s0, s1]
        sibs = [sib0, sib1]
        dibs = [dib0, dib1]
        zero16 = jnp.zeros((16,), jnp.float32)

        @pl.loop(0, 16)
        def _(i):
            @pl.loop(0, HH, step=16)
            def _(j):
                zb[i, pl.ds(j, 16)] = zero16

        zbase = sid * ZROWS
        zcp = [pltpu.async_copy(zb, acc.at[pl.ds(zbase + 16 * i, 16)], zsem)
               for i in range(ZROWS // 16)]
        for c in zcp:
            c.wait()

        plsc.subcore_barrier()
        rowbase = sid * RS_PROP

        def run(y_hbm, o_hbm):
            def process2(bufs):
                M = 2 * PGRP
                gcp = [None] * M
                scp = [None] * M

                def ib(j):
                    sib, dib = bufs[0] if j < PGRP else bufs[1]
                    return sib.at[j % PGRP], dib.at[j % PGRP]

                def hook(g):
                    nxt = pl.multiple_of(
                        jnp.minimum(g + 2 * PGRP,
                                    rowbase + RS_PROP - PGRP), PGRP)
                    prefetch(nxt, 0)

                for j in range(M):
                    b = j % NBUF
                    if j >= NBUF:
                        scp[j - NBUF].wait()
                    sj, _ = ib(j)
                    gcp[j] = pltpu.async_copy(y_hbm.at[sj], rows[b], gsem[b])
                    if j >= 1:
                        pb = (j - 1) % NBUF
                        gcp[j - 1].wait()
                        _, dj = ib(j - 1)
                        scp[j - 1] = pltpu.async_copy(
                            rows[pb], acc.at[dj], ssem[pb], add=True)
                    if j == PGRP + 1:
                        hook(cur_g[0])
                lb = (M - 1) % NBUF
                gcp[M - 1].wait()
                _, dl = ib(M - 1)
                scp[M - 1] = pltpu.async_copy(rows[lb], acc.at[dl], ssem[lb],
                                              add=True)
                for j in range(M - NBUF, M):
                    scp[j].wait()

            def prefetch(row, bi):
                ca = pltpu.async_copy(src_hbm.at[pl.ds(row, PGRP)],
                                      sibs[bi], isem)
                cb = pltpu.async_copy(dst_hbm.at[pl.ds(row, PGRP)],
                                      dibs[bi], isem)
                return (ca, cb)

            def wait_idx(bi):
                pltpu.make_async_copy(src_hbm.at[pl.ds(rowbase, PGRP)],
                                      sibs[bi], isem).wait()
                pltpu.make_async_copy(dst_hbm.at[pl.ds(rowbase, PGRP)],
                                      dibs[bi], isem).wait()

            pltpu.sync_copy(src_hbm.at[pl.ds(rowbase, PGRP)], sibs[0])
            pltpu.sync_copy(dst_hbm.at[pl.ds(rowbase, PGRP)], dibs[0])
            pltpu.sync_copy(src_hbm.at[pl.ds(rowbase + PGRP, PGRP)], sibs[1])
            pltpu.sync_copy(dst_hbm.at[pl.ds(rowbase + PGRP, PGRP)], dibs[1])
            cur_g = [None]

            @pl.loop(0, RS_PROP, step=2 * PGRP)
            def _(g):
                cur_g[0] = rowbase + g
                process2(((sibs[0], dibs[0]), (sibs[1], dibs[1])))
                nxt2 = pl.multiple_of(
                    jnp.minimum(rowbase + g + 3 * PGRP,
                                rowbase + RS_PROP - PGRP), PGRP)
                prefetch(nxt2, 1)
                wait_idx(0)
                wait_idx(1)

            plsc.subcore_barrier()
            wbase = sid * ZROWS
            pltpu.sync_copy(acc.at[pl.ds(wbase, ZROWS)],
                            o_hbm.at[pl.ds(wbase, ZROWS)])

        @pl.when(cid == 0)
        def _():
            run(y0_hbm, s0_hbm)

        @pl.when(cid == 1)
        def _():
            run(y1_hbm, s1_hbm)

    return prop_k(y0, y1, src2d, dst2d)


def _tc_enc_h(x, enc_W, enc_b):
    nb = N // BN_TC

    def body(x_r, ew_r, eb_r, h_r):
        h = jnp.dot(x_r[...], ew_r[...], preferred_element_type=jnp.float32)
        h_r[...] = h + eb_r[...]

    return pl.pallas_call(
        body,
        grid=(nb,),
        in_specs=[
            pl.BlockSpec((BN_TC, D), lambda i: (i, 0)),
            pl.BlockSpec((D, H), lambda i: (0, 0)),
            pl.BlockSpec((1, H), lambda i: (0, 0)),
        ],
        out_specs=pl.BlockSpec((BN_TC, H), lambda i: (i, 0)),
        out_shape=jax.ShapeDtypeStruct((N, H), jnp.float32),
    )(x, enc_W, enc_b.reshape(1, H))


def _tc_prep(h, degp0, degp1, W0):
    nb = N // BN_TC

    def body(h_r, d0_r, d1_r, w0_r, d16_r, y0_r, y1_r):
        deg = d0_r[...][:, :16] + d1_r[...][:, :16] + 1.0
        dv16 = lax.rsqrt(deg)
        dv = dv16[:, :1]
        d16_r[...] = dv16
        xw = jnp.dot(h_r[...], w0_r[...], preferred_element_type=jnp.float32)
        y = dv * xw
        y0_r[...] = y[:, :HH]
        y1_r[...] = y[:, HH:]

    return pl.pallas_call(
        body,
        grid=(nb,),
        in_specs=[
            pl.BlockSpec((BN_TC, H), lambda i: (i, 0)),
            pl.BlockSpec((BN_TC, HH), lambda i: (i, 0)),
            pl.BlockSpec((BN_TC, HH), lambda i: (i, 0)),
            pl.BlockSpec((H, H), lambda i: (0, 0)),
        ],
        out_specs=[
            pl.BlockSpec((BN_TC, 16), lambda i: (i, 0)),
            pl.BlockSpec((BN_TC, HH), lambda i: (i, 0)),
            pl.BlockSpec((BN_TC, HH), lambda i: (i, 0)),
        ],
        out_shape=[
            jax.ShapeDtypeStruct((N, 16), jnp.float32),
            jax.ShapeDtypeStruct((N, HH), jnp.float32),
            jax.ShapeDtypeStruct((N, HH), jnp.float32),
        ],
    )(h, degp0, degp1, W0)


def _tc_combine(h, y0, y1, s0, s1, d16, b, sg, bb, Wn):
    nb = N // BN_TC
    has_next = Wn is not None

    def body(h_r, y0_r, y1_r, s0_r, s1_r, d16_r, b_r, sg_r, bb_r, *rest):
        if has_next:
            wn_r, hn_r, yn0_r, yn1_r = rest
        else:
            (hn_r,) = rest
        dv = d16_r[...][:, :1]
        agg = jnp.concatenate([s0_r[...] + y0_r[...],
                               s1_r[...] + y1_r[...]], axis=1)
        t = dv * agg + b_r[...]
        t = jnp.maximum(t, 0.0) * sg_r[...] + bb_r[...]
        hn = h_r[...] + t
        hn_r[...] = hn
        if has_next:
            xw = jnp.dot(hn, wn_r[...], preferred_element_type=jnp.float32)
            y = dv * xw
            yn0_r[...] = y[:, :HH]
            yn1_r[...] = y[:, HH:]

    in_specs = [
        pl.BlockSpec((BN_TC, H), lambda i: (i, 0)),
        pl.BlockSpec((BN_TC, HH), lambda i: (i, 0)),
        pl.BlockSpec((BN_TC, HH), lambda i: (i, 0)),
        pl.BlockSpec((BN_TC, HH), lambda i: (i, 0)),
        pl.BlockSpec((BN_TC, HH), lambda i: (i, 0)),
        pl.BlockSpec((BN_TC, 16), lambda i: (i, 0)),
        pl.BlockSpec((1, H), lambda i: (0, 0)),
        pl.BlockSpec((1, H), lambda i: (0, 0)),
        pl.BlockSpec((1, H), lambda i: (0, 0)),
    ]
    out_specs = [pl.BlockSpec((BN_TC, H), lambda i: (i, 0))]
    out_shape = [jax.ShapeDtypeStruct((N, H), jnp.float32)]
    args = [h, y0, y1, s0, s1, d16, b.reshape(1, H), sg.reshape(1, H),
            bb.reshape(1, H)]
    if has_next:
        in_specs.append(pl.BlockSpec((H, H), lambda i: (0, 0)))
        out_specs += [
            pl.BlockSpec((BN_TC, HH), lambda i: (i, 0)),
            pl.BlockSpec((BN_TC, HH), lambda i: (i, 0)),
        ]
        out_shape += [
            jax.ShapeDtypeStruct((N, HH), jnp.float32),
            jax.ShapeDtypeStruct((N, HH), jnp.float32),
        ]
        args.append(Wn)

    return pl.pallas_call(
        body,
        grid=(nb,),
        in_specs=in_specs,
        out_specs=out_specs,
        out_shape=out_shape,
    )(*args)


def _tc_pool_head(h, batch3, W1, b1, W2row, b2):
    nb = N // BB

    def body(h_r, bt_r, w1_r, b1_r, w2_r, b2_r, o_r, s_acc, c_acc):
        step = pl.program_id(0)

        @pl.when(step == 0)
        def _():
            s_acc[...] = jnp.zeros_like(s_acc)
            c_acc[...] = jnp.zeros_like(c_acc)

        bt = bt_r[...].reshape(1, BB)
        gid = lax.broadcasted_iota(jnp.int32, (G, BB), 0)
        oh = (gid == bt).astype(jnp.float32)
        s_acc[...] += jnp.dot(oh, h_r[...], preferred_element_type=jnp.float32)
        c_acc[...] += jnp.broadcast_to(
            jnp.sum(oh, axis=1, keepdims=True), (G, 128))

        @pl.when(step == nb - 1)
        def _():
            s = s_acc[...]
            cnt = jnp.maximum(c_acc[...][:, :1], 1.0)
            gvec = jnp.concatenate([s / cnt, s], axis=1)
            t = jnp.dot(gvec, w1_r[...], preferred_element_type=jnp.float32)
            t = jnp.maximum(t + b1_r[...], 0.0)
            o = jnp.sum(t * w2_r[...], axis=1, keepdims=True) + b2_r[...]
            o_r[...] = o

    return pl.pallas_call(
        body,
        grid=(nb,),
        in_specs=[
            pl.BlockSpec((BB, H), lambda i: (i, 0)),
            pl.BlockSpec((1, 1, BB), lambda i: (i, 0, 0)),
            pl.BlockSpec((2 * H, H), lambda i: (0, 0)),
            pl.BlockSpec((1, H), lambda i: (0, 0)),
            pl.BlockSpec((1, H), lambda i: (0, 0)),
            pl.BlockSpec((1, 1), lambda i: (0, 0)),
        ],
        out_specs=pl.BlockSpec((G, 1), lambda i: (0, 0)),
        out_shape=jax.ShapeDtypeStruct((G, 1), jnp.float32),
        scratch_shapes=[
            pltpu.VMEM((G, H), jnp.float32),
            pltpu.VMEM((G, 128), jnp.float32),
        ],
    )(h, batch3, W1, b1.reshape(1, H), W2row, b2.reshape(1, 1))


def kernel(x, edge_index, batch, enc_W, enc_b, conv_W, conv_b, bn_g, bn_b,
           head_W1, head_b1, head_W2, head_b2):
    src = edge_index[0]
    dst = edge_index[1]
    pad = EPAD - src.shape[0]
    src_p = jnp.concatenate([src, jnp.zeros((pad,), jnp.int32)])
    dst_p = jnp.concatenate([dst, jnp.full((pad,), N, jnp.int32)])
    src2d = src_p.reshape(R, CHUNK)
    dst2d = dst_p.reshape(R, CHUNK)
    batch3 = batch.reshape(N // BB, 1, BB)
    sg = bn_g / jnp.sqrt(1.0 + BN_EPS)

    degp = _sc_degree(dst2d)
    h = _tc_enc_h(x, enc_W, enc_b)
    degp0, degp1 = degp[0], degp[1]
    d16, y0, y1 = _tc_prep(h, degp0, degp1, conv_W[0])
    for i in range(L):
        s0, s1 = _sc_prop(y0, y1, src2d, dst2d)
        Wn = conv_W[i + 1] if i + 1 < L else None
        outs = _tc_combine(h, y0, y1, s0, s1, d16, conv_b[i], sg[i], bn_b[i],
                           Wn)
        if Wn is not None:
            h, y0, y1 = outs
        else:
            (h,) = outs

    o = _tc_pool_head(h, batch3, head_W1, head_b1,
                      head_W2.reshape(1, H), head_b2)
    return o[:, 0]

# --- scband reference (transcript-rebuilt; emitter-appended) ---
"""Pipeline reference for scband-gcn256-36816459662020 (READ-ONLY COPY).

The authoritative reference and input builder live on the scoring server;
editing this copy changes nothing except your own understanding.
"""

import jax, jax.numpy as jnp
import numpy as np

N = 10000
E = 320000
D = 128
H = 256
G = 64
L = 4
BN_EPS = 1e-5


def setup_inputs(seed: int = 0) -> dict:
    key = jax.random.key(seed)
    ks = jax.random.split(key, 16)
    x = jax.random.normal(ks[0], (N, D), dtype=jnp.float32)
    edge_index = jax.random.randint(ks[1], (2, E), 0, N, dtype=jnp.int32)
    batch = jnp.sort(jax.random.randint(ks[2], (N,), 0, G, dtype=jnp.int32))
    enc_W = jax.random.normal(ks[3], (D, H), dtype=jnp.float32) * 0.05
    enc_b = jnp.zeros((H,), dtype=jnp.float32)
    conv_W = jax.random.normal(ks[4], (L, H, H), dtype=jnp.float32) * 0.05
    conv_b = jnp.zeros((L, H), dtype=jnp.float32)
    bn_g = jnp.ones((L, H), dtype=jnp.float32)
    bn_b = jnp.zeros((L, H), dtype=jnp.float32)
    head_W1 = jax.random.normal(ks[5], (2 * H, H), dtype=jnp.float32) * 0.05
    head_b1 = jnp.zeros((H,), dtype=jnp.float32)
    head_W2 = jax.random.normal(ks[6], (H, 1), dtype=jnp.float32) * 0.05
    head_b2 = jnp.zeros((1,), dtype=jnp.float32)
    return {"x": x, "edge_index": edge_index, "batch": batch,
            "enc_W": enc_W, "enc_b": enc_b,
            "conv_W": conv_W, "conv_b": conv_b,
            "bn_g": bn_g, "bn_b": bn_b,
            "head_W1": head_W1, "head_b1": head_b1,
            "head_W2": head_W2, "head_b2": head_b2}


def _gcn_conv(h, edge_index, W, b):
    # torch_geometric GCNConv: xW, add self-loops, sym-normalize, scatter-add, + bias
    xw = h @ W
    loop = jnp.arange(N, dtype=edge_index.dtype)
    src = jnp.concatenate([edge_index[0], loop])
    dst = jnp.concatenate([edge_index[1], loop])
    deg = jax.ops.segment_sum(jnp.ones_like(dst, dtype=xw.dtype), dst, num_segments=N)
    dinv = jax.lax.rsqrt(jnp.maximum(deg, 1e-12))
    norm = dinv[src] * dinv[dst]
    msg = xw[src] * norm[:, None]
    out = jax.ops.segment_sum(msg, dst, num_segments=N)
    return out + b


def reference(x, edge_index, batch, enc_W, enc_b, conv_W, conv_b, bn_g, bn_b,
              head_W1, head_b1, head_W2, head_b2):
    h = x @ enc_W + enc_b
    for i in range(L):
        c = _gcn_conv(h, edge_index, conv_W[i], conv_b[i])
        c = jax.nn.relu(c)
        # BatchNorm1d in eval mode (running_mean=0, running_var=1); dropout inactive in eval
        c = c / jnp.sqrt(1.0 + BN_EPS) * bn_g[i] + bn_b[i]
        h = h + c
    ones = jnp.ones((N,), dtype=h.dtype)
    cnt = jax.ops.segment_sum(ones, batch, num_segments=G)
    s = jax.ops.segment_sum(h, batch, num_segments=G)
    mean = s / jnp.maximum(cnt, 1.0)[:, None]
    g = jnp.concatenate([mean, s], axis=-1)
    o = jax.nn.relu(g @ head_W1 + head_b1)
    o = o @ head_W2 + head_b2
    return o[:, 0]

if __name__ == "__main__":
    import jax
    _d = setup_inputs()
    print(jax.jit(kernel)(*tuple(_d.values())))

</pallas_src>

<mosaic_0001>
#map = affine_map<(d0, d1) -> (0, 0)>
#map1 = affine_map<(d0, d1) -> (0, 0, 0)>
module attributes {stable_mosaic.version = 14 : i64} {
  func.func @deg_k(%arg0: i32, %arg1: i32, %arg2: memref<2560x128xi32, #tpu.memory_space<hbm>>, %arg3: memref<2x10240x128xf32, #tpu.memory_space<hbm>>, %arg4: memref<8x128xi32, #tpu.memory_space<vmem>>, %arg5: memref<128x128xf32, #tpu.memory_space<vmem>>, %arg6: memref<16x128xf32, #tpu.memory_space<vmem>>, %arg7: memref<10240x128xf32, #tpu.memory_space<vmem_shared>>) attributes {dimension_semantics = [#tpu.dimension_semantics<core_parallel>, #tpu.dimension_semantics<subcore_parallel>], iteration_bounds = array<i64: 2, 16>, scalar_prefetch = 0 : i64, scratch_operands = 4 : i64, tpu.core_type = #tpu.core_type<sc_vector_subcore>, window_params = [{transform_indices = #map}, {transform_indices = #map1}]} {
    %broadcast_in_dim3A = arith.constant 1.000000e+00 : f32
    %broadcast_in_dim3A_0 = vector.broadcast %broadcast_in_dim3A : f32 to vector<16xf32>
    %broadcast_in_dim3A_1 = arith.constant 0.000000e+00 : f32
    %broadcast_in_dim3A_2 = vector.broadcast %broadcast_in_dim3A_1 : f32 to vector<16xf32>
    %scan3A = arith.constant 0 : i32
    %scan3A_3 = arith.constant 128 : i32
    %scan3A_4 = arith.addi %scan3A, %scan3A_3 : i32
    %scan3A_5 = arith.constant 1 : i32
    scf.for %scan3A_30 = %scan3A to %scan3A_4 step %scan3A_5  : i32 {
      %mul3A_31 = arith.constant 1 : i32
      %mul3A_32 = arith.muli %scan3A_30, %mul3A_31 : i32
      %add3A_33 = arith.constant 0 : i32
      %add3A_34 = arith.addi %add3A_33, %mul3A_32 : i32
      %scan3A_35 = arith.constant 0 : i32
      %scan3A_36 = arith.constant 8 : i32
      %scan3A_37 = arith.addi %scan3A_35, %scan3A_36 : i32
      %scan3A_38 = arith.constant 1 : i32
      scf.for %scan3A_40 = %scan3A_35 to %scan3A_37 step %scan3A_38  : i32 {
        %mul3A_41 = arith.constant 16 : i32
        %mul3A_42 = arith.muli %scan3A_40, %mul3A_41 : i32
        %add3A_43 = arith.constant 0 : i32
        %add3A_44 = arith.addi %add3A_43, %mul3A_42 : i32
        %swap3A = arith.index_cast %add3A_34 : i32 to index
        %swap3A_45 = arith.index_cast %add3A_44 : i32 to index
        %swap3A_46 = tpu.vector_load %arg5[%swap3A, %swap3A_45] {strides = array<i32>} : memref<128x128xf32, #tpu.memory_space<vmem>>, vector<1x16xf32>,
        %swap3A_47 = vector.shape_cast %swap3A_46 : vector<1x16xf32> to vector<16xf32>
        %swap3A_48 = vector.shape_cast %broadcast_in_dim3A_0 : vector<16xf32> to vector<1x16xf32>
        tpu.vector_store %arg5[%swap3A, %swap3A_45], %swap3A_48 {strides = array<i32>} : memref<128x128xf32, #tpu.memory_space<vmem>>, vector<1x16xf32>,
      }
      %scan3A_39 = arith.constant 8 : i32
    }
    %scan3A_6 = arith.constant 128 : i32
    %scan3A_7 = arith.constant 0 : i32
    %scan3A_8 = arith.constant 16 : i32
    %scan3A_9 = arith.addi %scan3A_7, %scan3A_8 : i32
    %scan3A_10 = arith.constant 1 : i32
    scf.for %scan3A_30 = %scan3A_7 to %scan3A_9 step %scan3A_10  : i32 {
      %mul3A_31 = arith.constant 1 : i32
      %mul3A_32 = arith.muli %scan3A_30, %mul3A_31 : i32
      %add3A_33 = arith.constant 0 : i32
      %add3A_34 = arith.addi %add3A_33, %mul3A_32 : i32
      %scan3A_35 = arith.constant 0 : i32
      %scan3A_36 = arith.constant 8 : i32
      %scan3A_37 = arith.addi %scan3A_35, %scan3A_36 : i32
      %scan3A_38 = arith.constant 1 : i32
      scf.for %scan3A_40 = %scan3A_35 to %scan3A_37 step %scan3A_38  : i32 {
        %mul3A_41 = arith.constant 16 : i32
        %mul3A_42 = arith.muli %scan3A_40, %mul3A_41 : i32
        %add3A_43 = arith.constant 0 : i32
        %add3A_44 = arith.addi %add3A_43, %mul3A_42 : i32
        %swap3A = arith.index_cast %add3A_34 : i32 to index
        %swap3A_45 = arith.index_cast %add3A_44 : i32 to index
        %swap3A_46 = tpu.vector_load %arg6[%swap3A, %swap3A_45] {strides = array<i32>} : memref<16x128xf32, #tpu.memory_space<vmem>>, vector<1x16xf32>,
        %swap3A_47 = vector.shape_cast %swap3A_46 : vector<1x16xf32> to vector<16xf32>
        %swap3A_48 = vector.shape_cast %broadcast_in_dim3A_2 : vector<16xf32> to vector<1x16xf32>
        tpu.vector_store %arg6[%swap3A, %swap3A_45], %swap3A_48 {strides = array<i32>} : memref<16x128xf32, #tpu.memory_space<vmem>>, vector<1x16xf32>,
      }
      %scan3A_39 = arith.constant 8 : i32
    }
    %scan3A_11 = arith.constant 16 : i32
    %mul3A = arith.constant 640 : i32
    %mul3A_12 = arith.muli %arg1, %mul3A : i32
    %scan3A_13 = arith.constant 0 : i32
    %scan3A_14 = arith.constant 40 : i32
    %scan3A_15 = arith.addi %scan3A_13, %scan3A_14 : i32
    %scan3A_16 = arith.constant 1 : i32
    scf.for %scan3A_30 = %scan3A_13 to %scan3A_15 step %scan3A_16  : i32 {
      %mul3A_31 = arith.constant 16 : i32
      %mul3A_32 = arith.muli %scan3A_30, %mul3A_31 : i32
      %add3A_33 = arith.constant 0 : i32
      %add3A_34 = arith.addi %add3A_33, %mul3A_32 : i32
      %add3A_35 = arith.addi %mul3A_12, %add3A_34 : i32
      "tpu.region"() ({
        %run_scoped3A = tpu.sem_alloc : memref<!tpu.dma_semaphore, #tpu.memory_space<semaphore_mem>>
        %dma_start3A = arith.constant 0 : i32
        %dma_start3A_36 = tpu.memref_slice %arg7[%add3A_35, %dma_start3A] : memref<10240x128xf32, #tpu.memory_space<vmem_shared>> -> memref<16x128xf32, #tpu.memory_space<vmem_shared>>
        %dma_start3A_37 = arith.constant 0 : i32
        %dma_start3A_38 = tpu.memref_slice %arg7[%add3A_35, %dma_start3A_37] : memref<10240x128xf32, #tpu.memory_space<vmem_shared>> -> memref<16x128xf32, #tpu.memory_space<vmem_shared>>
        tpu.enqueue_dma source(%arg6 : memref<16x128xf32, #tpu.memory_space<vmem>>) target(%dma_start3A_38 : memref<16x128xf32, #tpu.memory_space<vmem_shared>>) target_semaphore(%run_scoped3A : memref<!tpu.dma_semaphore, #tpu.memory_space<semaphore_mem>>)
        %dma_wait3A = arith.constant 0 : i32
        %dma_wait3A_39 = tpu.memref_slice %arg7[%add3A_35, %dma_wait3A] : memref<10240x128xf32, #tpu.memory_space<vmem_shared>> -> memref<16x128xf32, #tpu.memory_space<vmem_shared>>
        %dma_wait3A_40 = arith.constant 0 : i32
        %dma_wait3A_41 = tpu.memref_slice %arg7[%add3A_35, %dma_wait3A_40] : memref<10240x128xf32, #tpu.memory_space<vmem_shared>> -> memref<16x128xf32, #tpu.memory_space<vmem_shared>>
        tpu.wait_dma2 semaphore(%run_scoped3A : memref<!tpu.dma_semaphore, #tpu.memory_space<semaphore_mem>>) src(%arg6 : memref<16x128xf32, #tpu.memory_space<vmem>>) dst(%dma_wait3A_41 : memref<16x128xf32, #tpu.memory_space<vmem_shared>>)
        tpu.yield
      }) : () -> ()
    }
    %scan3A_17 = arith.constant 40 : i32
    %barrier3A = arith.constant 0 : index
    tpu.barrier barrier_id(%barrier3A)
    %mul3A_18 = arith.constant 16 : i32
    %mul3A_19 = arith.muli %arg0, %mul3A_18 : i32
    %add3A = arith.addi %mul3A_19, %arg1 : i32
    %mul3A_20 = arith.constant 80 : i32
    %mul3A_21 = arith.muli %add3A, %mul3A_20 : i32
    %scan3A_22 = arith.constant 0 : i32
    %scan3A_23 = arith.constant 10 : i32
    %scan3A_24 = arith.addi %scan3A_22, %scan3A_23 : i32
    %scan3A_25 = arith.constant 1 : i32
    scf.for %scan3A_30 = %scan3A_22 to %scan3A_24 step %scan3A_25  : i32 {
      %mul3A_31 = arith.constant 8 : i32
      %mul3A_32 = arith.muli %scan3A_30, %mul3A_31 : i32
      %add3A_33 = arith.constant 0 : i32
      %add3A_34 = arith.addi %add3A_33, %mul3A_32 : i32
      %add3A_35 = arith.addi %mul3A_21, %add3A_34 : i32
      "tpu.region"() ({
        %run_scoped3A_43 = tpu.sem_alloc : memref<!tpu.dma_semaphore, #tpu.memory_space<semaphore_mem>>
        %dma_start3A = arith.constant 0 : i32
        %dma_start3A_44 = tpu.memref_slice %arg2[%add3A_35, %dma_start3A] : memref<2560x128xi32, #tpu.memory_space<hbm>> -> memref<8x128xi32, #tpu.memory_space<hbm>>
        %dma_start3A_45 = arith.constant 0 : i32
        %dma_start3A_46 = tpu.memref_slice %arg2[%add3A_35, %dma_start3A_45] : memref<2560x128xi32, #tpu.memory_space<hbm>> -> memref<8x128xi32, #tpu.memory_space<hbm>>
        tpu.enqueue_dma source(%dma_start3A_46 : memref<8x128xi32, #tpu.memory_space<hbm>>) target(%arg4 : memref<8x128xi32, #tpu.memory_space<vmem>>) target_semaphore(%run_scoped3A_43 : memref<!tpu.dma_semaphore, #tpu.memory_space<semaphore_mem>>)
        %dma_wait3A = arith.constant 0 : i32
        %dma_wait3A_47 = tpu.memref_slice %arg2[%add3A_35, %dma_wait3A] : memref<2560x128xi32, #tpu.memory_space<hbm>> -> memref<8x128xi32, #tpu.memory_space<hbm>>
        %dma_wait3A_48 = arith.constant 0 : i32
        %dma_wait3A_49 = tpu.memref_slice %arg2[%add3A_35, %dma_wait3A_48] : memref<2560x128xi32, #tpu.memory_space<hbm>> -> memref<8x128xi32, #tpu.memory_space<hbm>>
        tpu.wait_dma2 semaphore(%run_scoped3A_43 : memref<!tpu.dma_semaphore, #tpu.memory_space<semaphore_mem>>) src(%dma_wait3A_49 : memref<8x128xi32, #tpu.memory_space<hbm>>) dst(%arg4 : memref<8x128xi32, #tpu.memory_space<vmem>>)
        tpu.yield
      }) : () -> ()
      %run_scoped3A = arith.constant 0 : i32
      "tpu.region"() ({
        %run_scoped3A_43 = tpu.sem_alloc : memref<!tpu.dma_semaphore, #tpu.memory_space<semaphore_mem>>
        %dma_start3A = arith.constant 0 : i32
        %dma_start3A_44 = tpu.memref_slice %arg4[%run_scoped3A, %dma_start3A] : memref<8x128xi32, #tpu.memory_space<vmem>> -> memref<1x128xi32, #tpu.memory_space<vmem>>
        %dma_start3A_45 = tpu.memref_squeeze %dma_start3A_44 : memref<1x128xi32, #tpu.memory_space<vmem>> -> memref<128xi32, #tpu.memory_space<vmem>>
        %dma_start3A_46 = arith.constant 0 : i32
        %dma_start3A_47 = arith.constant 0 : i32
        %dma_start3A_48 = tpu.memref_slice %arg7[%dma_start3A_46, %dma_start3A_47] : memref<10240x128xf32, #tpu.memory_space<vmem_shared>> -> memref<10240x128xf32, #tpu.memory_space<vmem_shared>>
        tpu.enqueue_indirect_dma source(%arg5 : memref<128x128xf32, #tpu.memory_space<vmem>>) target(%dma_start3A_48 : memref<10240x128xf32, #tpu.memory_space<vmem_shared>>) offsets(%dma_start3A_45 : memref<128xi32, #tpu.memory_space<vmem>>) semaphore(%run_scoped3A_43 : memref<!tpu.dma_semaphore, #tpu.memory_space<semaphore_mem>>) {add = true}
        %dma_wait3A = arith.constant 0 : i32
        %dma_wait3A_49 = tpu.memref_slice %arg4[%run_scoped3A, %dma_wait3A] : memref<8x128xi32, #tpu.memory_space<vmem>> -> memref<1x128xi32, #tpu.memory_space<vmem>>
        %dma_wait3A_50 = tpu.memref_squeeze %dma_wait3A_49 : memref<1x128xi32, #tpu.memory_space<vmem>> -> memref<128xi32, #tpu.memory_space<vmem>>
        %dma_wait3A_51 = arith.constant 0 : i32
        %dma_wait3A_52 = arith.constant 0 : i32
        %dma_wait3A_53 = tpu.memref_slice %arg7[%dma_wait3A_51, %dma_wait3A_52] : memref<10240x128xf32, #tpu.memory_space<vmem_shared>> -> memref<10240x128xf32, #tpu.memory_space<vmem_shared>>
        tpu.wait_indirect_dma semaphore(%run_scoped3A_43 : memref<!tpu.dma_semaphore, #tpu.memory_space<semaphore_mem>>) src(%arg5 : memref<128x128xf32, #tpu.memory_space<vmem>>) dst(%dma_wait3A_53 : memref<10240x128xf32, #tpu.memory_space<vmem_shared>>)
        tpu.yield
      }) : () -> ()
      %run_scoped3A_36 = arith.constant 1 : i32
      "tpu.region"() ({
        %run_scoped3A_43 = tpu.sem_alloc : memref<!tpu.dma_semaphore, #tpu.memory_space<semaphore_mem>>
        %dma_start3A = arith.constant 0 : i32
        %dma_start3A_44 = tpu.memref_slice %arg4[%run_scoped3A_36, %dma_start3A] : memref<8x128xi32, #tpu.memory_space<vmem>> -> memref<1x128xi32, #tpu.memory_space<vmem>>
        %dma_start3A_45 = tpu.memref_squeeze %dma_start3A_44 : memref<1x128xi32, #tpu.memory_space<vmem>> -> memref<128xi32, #tpu.memory_space<vmem>>
        %dma_start3A_46 = arith.constant 0 : i32
        %dma_start3A_47 = arith.constant 0 : i32
        %dma_start3A_48 = tpu.memref_slice %arg7[%dma_start3A_46, %dma_start3A_47] : memref<10240x128xf32, #tpu.memory_space<vmem_shared>> -> memref<10240x128xf32, #tpu.memory_space<vmem_shared>>
        tpu.enqueue_indirect_dma source(%arg5 : memref<128x128xf32, #tpu.memory_space<vmem>>) target(%dma_start3A_48 : memref<10240x128xf32, #tpu.memory_space<vmem_shared>>) offsets(%dma_start3A_45 : memref<128xi32, #tpu.memory_space<vmem>>) semaphore(%run_scoped3A_43 : memref<!tpu.dma_semaphore, #tpu.memory_space<semaphore_mem>>) {add = true}
        %dma_wait3A = arith.constant 0 : i32
        %dma_wait3A_49 = tpu.memref_slice %arg4[%run_scoped3A_36, %dma_wait3A] : memref<8x128xi32, #tpu.memory_space<vmem>> -> memref<1x128xi32, #tpu.memory_space<vmem>>
        %dma_wait3A_50 = tpu.memref_squeeze %dma_wait3A_49 : memref<1x128xi32, #tpu.memory_space<vmem>> -> memref<128xi32, #tpu.memory_space<vmem>>
        %dma_wait3A_51 = arith.constant 0 : i32
        %dma_wait3A_52 = arith.constant 0 : i32
        %dma_wait3A_53 = tpu.memref_slice %arg7[%dma_wait3A_51, %dma_wait3A_52] : memref<10240x128xf32, #tpu.memory_space<vmem_shared>> -> memref<10240x128xf32, #tpu.memory_space<vmem_shared>>
        tpu.wait_indirect_dma semaphore(%run_scoped3A_43 : memref<!tpu.dma_semaphore, #tpu.memory_space<semaphore_mem>>) src(%arg5 : memref<128x128xf32, #tpu.memory_space<vmem>>) dst(%dma_wait3A_53 : memref<10240x128xf32, #tpu.memory_space<vmem_shared>>)
        tpu.yield
      }) : () -> ()
      %run_scoped3A_37 = arith.constant 2 : i32
      "tpu.region"() ({
        %run_scoped3A_43 = tpu.sem_alloc : memref<!tpu.dma_semaphore, #tpu.memory_space<semaphore_mem>>
        %dma_start3A = arith.constant 0 : i32
        %dma_start3A_44 = tpu.memref_slice %arg4[%run_scoped3A_37, %dma_start3A] : memref<8x128xi32, #tpu.memory_space<vmem>> -> memref<1x128xi32, #tpu.memory_space<vmem>>
        %dma_start3A_45 = tpu.memref_squeeze %dma_start3A_44 : memref<1x128xi32, #tpu.memory_space<vmem>> -> memref<128xi32, #tpu.memory_space<vmem>>
        %dma_start3A_46 = arith.constant 0 : i32
        %dma_start3A_47 = arith.constant 0 : i32
        %dma_start3A_48 = tpu.memref_slice %arg7[%dma_start3A_46, %dma_start3A_47] : memref<10240x128xf32, #tpu.memory_space<vmem_shared>> -> memref<10240x128xf32, #tpu.memory_space<vmem_shared>>
        tpu.enqueue_indirect_dma source(%arg5 : memref<128x128xf32, #tpu.memory_space<vmem>>) target(%dma_start3A_48 : memref<10240x128xf32, #tpu.memory_space<vmem_shared>>) offsets(%dma_start3A_45 : memref<128xi32, #tpu.memory_space<vmem>>) semaphore(%run_scoped3A_43 : memref<!tpu.dma_semaphore, #tpu.memory_space<semaphore_mem>>) {add = true}
        %dma_wait3A = arith.constant 0 : i32
        %dma_wait3A_49 = tpu.memref_slice %arg4[%run_scoped3A_37, %dma_wait3A] : memref<8x128xi32, #tpu.memory_space<vmem>> -> memref<1x128xi32, #tpu.memory_space<vmem>>
        %dma_wait3A_50 = tpu.memref_squeeze %dma_wait3A_49 : memref<1x128xi32, #tpu.memory_space<vmem>> -> memref<128xi32, #tpu.memory_space<vmem>>
        %dma_wait3A_51 = arith.constant 0 : i32
        %dma_wait3A_52 = arith.constant 0 : i32
        %dma_wait3A_53 = tpu.memref_slice %arg7[%dma_wait3A_51, %dma_wait3A_52] : memref<10240x128xf32, #tpu.memory_space<vmem_shared>> -> memref<10240x128xf32, #tpu.memory_space<vmem_shared>>
        tpu.wait_indirect_dma semaphore(%run_scoped3A_43 : memref<!tpu.dma_semaphore, #tpu.memory_space<semaphore_mem>>) src(%arg5 : memref<128x128xf32, #tpu.memory_space<vmem>>) dst(%dma_wait3A_53 : memref<10240x128xf32, #tpu.memory_space<vmem_shared>>)
        tpu.yield
      }) : () -> ()
      %run_scoped3A_38 = arith.constant 3 : i32
      "tpu.region"() ({
        %run_scoped3A_43 = tpu.sem_alloc : memref<!tpu.dma_semaphore, #tpu.memory_space<semaphore_mem>>
        %dma_start3A = arith.constant 0 : i32
        %dma_start3A_44 = tpu.memref_slice %arg4[%run_scoped3A_38, %dma_start3A] : memref<8x128xi32, #tpu.memory_space<vmem>> -> memref<1x128xi32, #tpu.memory_space<vmem>>
        %dma_start3A_45 = tpu.memref_squeeze %dma_start3A_44 : memref<1x128xi32, #tpu.memory_space<vmem>> -> memref<128xi32, #tpu.memory_space<vmem>>
        %dma_start3A_46 = arith.constant 0 : i32
        %dma_start3A_47 = arith.constant 0 : i32
        %dma_start3A_48 = tpu.memref_slice %arg7[%dma_start3A_46, %dma_start3A_47] : memref<10240x128xf32, #tpu.memory_space<vmem_shared>> -> memref<10240x128xf32, #tpu.memory_space<vmem_shared>>
        tpu.enqueue_indirect_dma source(%arg5 : memref<128x128xf32, #tpu.memory_space<vmem>>) target(%dma_start3A_48 : memref<10240x128xf32, #tpu.memory_space<vmem_shared>>) offsets(%dma_start3A_45 : memref<128xi32, #tpu.memory_space<vmem>>) semaphore(%run_scoped3A_43 : memref<!tpu.dma_semaphore, #tpu.memory_space<semaphore_mem>>) {add = true}
        %dma_wait3A = arith.constant 0 : i32
        %dma_wait3A_49 = tpu.memref_slice %arg4[%run_scoped3A_38, %dma_wait3A] : memref<8x128xi32, #tpu.memory_space<vmem>> -> memref<1x128xi32, #tpu.memory_space<vmem>>
        %dma_wait3A_50 = tpu.memref_squeeze %dma_wait3A_49 : memref<1x128xi32, #tpu.memory_space<vmem>> -> memref<128xi32, #tpu.memory_space<vmem>>
        %dma_wait3A_51 = arith.constant 0 : i32
        %dma_wait3A_52 = arith.constant 0 : i32
        %dma_wait3A_53 = tpu.memref_slice %arg7[%dma_wait3A_51, %dma_wait3A_52] : memref<10240x128xf32, #tpu.memory_space<vmem_shared>> -> memref<10240x128xf32, #tpu.memory_space<vmem_shared>>
        tpu.wait_indirect_dma semaphore(%run_scoped3A_43 : memref<!tpu.dma_semaphore, #tpu.memory_space<semaphore_mem>>) src(%arg5 : memref<128x128xf32, #tpu.memory_space<vmem>>) dst(%dma_wait3A_53 : memref<10240x128xf32, #tpu.memory_space<vmem_shared>>)
        tpu.yield
      }) : () -> ()
      %run_scoped3A_39 = arith.constant 4 : i32
      "tpu.region"() ({
        %run_scoped3A_43 = tpu.sem_alloc : memref<!tpu.dma_semaphore, #tpu.memory_space<semaphore_mem>>
        %dma_start3A = arith.constant 0 : i32
        %dma_start3A_44 = tpu.memref_slice %arg4[%run_scoped3A_39, %dma_start3A] : memref<8x128xi32, #tpu.memory_space<vmem>> -> memref<1x128xi32, #tpu.memory_space<vmem>>
        %dma_start3A_45 = tpu.memref_squeeze %dma_start3A_44 : memref<1x128xi32, #tpu.memory_space<vmem>> -> memref<128xi32, #tpu.memory_space<vmem>>
        %dma_start3A_46 = arith.constant 0 : i32
        %dma_start3A_47 = arith.constant 0 : i32
        %dma_start3A_48 = tpu.memref_slice %arg7[%dma_start3A_46, %dma_start3A_47] : memref<10240x128xf32, #tpu.memory_space<vmem_shared>> -> memref<10240x128xf32, #tpu.memory_space<vmem_shared>>
        tpu.enqueue_indirect_dma source(%arg5 : memref<128x128xf32, #tpu.memory_space<vmem>>) target(%dma_start3A_48 : memref<10240x128xf32, #tpu.memory_space<vmem_shared>>) offsets(%dma_start3A_45 : memref<128xi32, #tpu.memory_space<vmem>>) semaphore(%run_scoped3A_43 : memref<!tpu.dma_semaphore, #tpu.memory_space<semaphore_mem>>) {add = true}
        %dma_wait3A = arith.constant 0 : i32
        %dma_wait3A_49 = tpu.memref_slice %arg4[%run_scoped3A_39, %dma_wait3A] : memref<8x128xi32, #tpu.memory_space<vmem>> -> memref<1x128xi32, #tpu.memory_space<vmem>>
        %dma_wait3A_50 = tpu.memref_squeeze %dma_wait3A_49 : memref<1x128xi32, #tpu.memory_space<vmem>> -> memref<128xi32, #tpu.memory_space<vmem>>
        %dma_wait3A_51 = arith.constant 0 : i32
        %dma_wait3A_52 = arith.constant 0 : i32
        %dma_wait3A_53 = tpu.memref_slice %arg7[%dma_wait3A_51, %dma_wait3A_52] : memref<10240x128xf32, #tpu.memory_space<vmem_shared>> -> memref<10240x128xf32, #tpu.memory_space<vmem_shared>>
        tpu.wait_indirect_dma semaphore(%run_scoped3A_43 : memref<!tpu.dma_semaphore, #tpu.memory_space<semaphore_mem>>) src(%arg5 : memref<128x128xf32, #tpu.memory_space<vmem>>) dst(%dma_wait3A_53 : memref<10240x128xf32, #tpu.memory_space<vmem_shared>>)
        tpu.yield
      }) : () -> ()
      %run_scoped3A_40 = arith.constant 5 : i32
      "tpu.region"() ({
        %run_scoped3A_43 = tpu.sem_alloc : memref<!tpu.dma_semaphore, #tpu.memory_space<semaphore_mem>>
        %dma_start3A = arith.constant 0 : i32
        %dma_start3A_44 = tpu.memref_slice %arg4[%run_scoped3A_40, %dma_start3A] : memref<8x128xi32, #tpu.memory_space<vmem>> -> memref<1x128xi32, #tpu.memory_space<vmem>>
        %dma_start3A_45 = tpu.memref_squeeze %dma_start3A_44 : memref<1x128xi32, #tpu.memory_space<vmem>> -> memref<128xi32, #tpu.memory_space<vmem>>
        %dma_start3A_46 = arith.constant 0 : i32
        %dma_start3A_47 = arith.constant 0 : i32
        %dma_start3A_48 = tpu.memref_slice %arg7[%dma_start3A_46, %dma_start3A_47] : memref<10240x128xf32, #tpu.memory_space<vmem_shared>> -> memref<10240x128xf32, #tpu.memory_space<vmem_shared>>
        tpu.enqueue_indirect_dma source(%arg5 : memref<128x128xf32, #tpu.memory_space<vmem>>) target(%dma_start3A_48 : memref<10240x128xf32, #tpu.memory_space<vmem_shared>>) offsets(%dma_start3A_45 : memref<128xi32, #tpu.memory_space<vmem>>) semaphore(%run_scoped3A_43 : memref<!tpu.dma_semaphore, #tpu.memory_space<semaphore_mem>>) {add = true}
        %dma_wait3A = arith.constant 0 : i32
        %dma_wait3A_49 = tpu.memref_slice %arg4[%run_scoped3A_40, %dma_wait3A] : memref<8x128xi32, #tpu.memory_space<vmem>> -> memref<1x128xi32, #tpu.memory_space<vmem>>
        %dma_wait3A_50 = tpu.memref_squeeze %dma_wait3A_49 : memref<1x128xi32, #tpu.memory_space<vmem>> -> memref<128xi32, #tpu.memory_space<vmem>>
        %dma_wait3A_51 = arith.constant 0 : i32
        %dma_wait3A_52 = arith.constant 0 : i32
        %dma_wait3A_53 = tpu.memref_slice %arg7[%dma_wait3A_51, %dma_wait3A_52] : memref<10240x128xf32, #tpu.memory_space<vmem_shared>> -> memref<10240x128xf32, #tpu.memory_space<vmem_shared>>
        tpu.wait_indirect_dma semaphore(%run_scoped3A_43 : memref<!tpu.dma_semaphore, #tpu.memory_space<semaphore_mem>>) src(%arg5 : memref<128x128xf32, #tpu.memory_space<vmem>>) dst(%dma_wait3A_53 : memref<10240x128xf32, #tpu.memory_space<vmem_shared>>)
        tpu.yield
      }) : () -> ()
      %run_scoped3A_41 = arith.constant 6 : i32
      "tpu.region"() ({
        %run_scoped3A_43 = tpu.sem_alloc : memref<!tpu.dma_semaphore, #tpu.memory_space<semaphore_mem>>
        %dma_start3A = arith.constant 0 : i32
        %dma_start3A_44 = tpu.memref_slice %arg4[%run_scoped3A_41, %dma_start3A] : memref<8x128xi32, #tpu.memory_space<vmem>> -> memref<1x128xi32, #tpu.memory_space<vmem>>
        %dma_start3A_45 = tpu.memref_squeeze %dma_start3A_44 : memref<1x128xi32, #tpu.memory_space<vmem>> -> memref<128xi32, #tpu.memory_space<vmem>>
        %dma_start3A_46 = arith.constant 0 : i32
        %dma_start3A_47 = arith.constant 0 : i32
        %dma_start3A_48 = tpu.memref_slice %arg7[%dma_start3A_46, %dma_start3A_47] : memref<10240x128xf32, #tpu.memory_space<vmem_shared>> -> memref<10240x128xf32, #tpu.memory_space<vmem_shared>>
        tpu.enqueue_indirect_dma source(%arg5 : memref<128x128xf32, #tpu.memory_space<vmem>>) target(%dma_start3A_48 : memref<10240x128xf32, #tpu.memory_space<vmem_shared>>) offsets(%dma_start3A_45 : memref<128xi32, #tpu.memory_space<vmem>>) semaphore(%run_scoped3A_43 : memref<!tpu.dma_semaphore, #tpu.memory_space<semaphore_mem>>) {add = true}
        %dma_wait3A = arith.constant 0 : i32
        %dma_wait3A_49 = tpu.memref_slice %arg4[%run_scoped3A_41, %dma_wait3A] : memref<8x128xi32, #tpu.memory_space<vmem>> -> memref<1x128xi32, #tpu.memory_space<vmem>>
        %dma_wait3A_50 = tpu.memref_squeeze %dma_wait3A_49 : memref<1x128xi32, #tpu.memory_space<vmem>> -> memref<128xi32, #tpu.memory_space<vmem>>
        %dma_wait3A_51 = arith.constant 0 : i32
        %dma_wait3A_52 = arith.constant 0 : i32
        %dma_wait3A_53 = tpu.memref_slice %arg7[%dma_wait3A_51, %dma_wait3A_52] : memref<10240x128xf32, #tpu.memory_space<vmem_shared>> -> memref<10240x128xf32, #tpu.memory_space<vmem_shared>>
        tpu.wait_indirect_dma semaphore(%run_scoped3A_43 : memref<!tpu.dma_semaphore, #tpu.memory_space<semaphore_mem>>) src(%arg5 : memref<128x128xf32, #tpu.memory_space<vmem>>) dst(%dma_wait3A_53 : memref<10240x128xf32, #tpu.memory_space<vmem_shared>>)
        tpu.yield
      }) : () -> ()
      %run_scoped3A_42 = arith.constant 7 : i32
      "tpu.region"() ({
        %run_scoped3A_43 = tpu.sem_alloc : memref<!tpu.dma_semaphore, #tpu.memory_space<semaphore_mem>>
        %dma_start3A = arith.constant 0 : i32
        %dma_start3A_44 = tpu.memref_slice %arg4[%run_scoped3A_42, %dma_start3A] : memref<8x128xi32, #tpu.memory_space<vmem>> -> memref<1x128xi32, #tpu.memory_space<vmem>>
        %dma_start3A_45 = tpu.memref_squeeze %dma_start3A_44 : memref<1x128xi32, #tpu.memory_space<vmem>> -> memref<128xi32, #tpu.memory_space<vmem>>
        %dma_start3A_46 = arith.constant 0 : i32
        %dma_start3A_47 = arith.constant 0 : i32
        %dma_start3A_48 = tpu.memref_slice %arg7[%dma_start3A_46, %dma_start3A_47] : memref<10240x128xf32, #tpu.memory_space<vmem_shared>> -> memref<10240x128xf32, #tpu.memory_space<vmem_shared>>
        tpu.enqueue_indirect_dma source(%arg5 : memref<128x128xf32, #tpu.memory_space<vmem>>) target(%dma_start3A_48 : memref<10240x128xf32, #tpu.memory_space<vmem_shared>>) offsets(%dma_start3A_45 : memref<128xi32, #tpu.memory_space<vmem>>) semaphore(%run_scoped3A_43 : memref<!tpu.dma_semaphore, #tpu.memory_space<semaphore_mem>>) {add = true}
        %dma_wait3A = arith.constant 0 : i32
        %dma_wait3A_49 = tpu.memref_slice %arg4[%run_scoped3A_42, %dma_wait3A] : memref<8x128xi32, #tpu.memory_space<vmem>> -> memref<1x128xi32, #tpu.memory_space<vmem>>
        %dma_wait3A_50 = tpu.memref_squeeze %dma_wait3A_49 : memref<1x128xi32, #tpu.memory_space<vmem>> -> memref<128xi32, #tpu.memory_space<vmem>>
        %dma_wait3A_51 = arith.constant 0 : i32
        %dma_wait3A_52 = arith.constant 0 : i32
        %dma_wait3A_53 = tpu.memref_slice %arg7[%dma_wait3A_51, %dma_wait3A_52] : memref<10240x128xf32, #tpu.memory_space<vmem_shared>> -> memref<10240x128xf32, #tpu.memory_space<vmem_shared>>
        tpu.wait_indirect_dma semaphore(%run_scoped3A_43 : memref<!tpu.dma_semaphore, #tpu.memory_space<semaphore_mem>>) src(%arg5 : memref<128x128xf32, #tpu.memory_space<vmem>>) dst(%dma_wait3A_53 : memref<10240x128xf32, #tpu.memory_space<vmem_shared>>)
        tpu.yield
      }) : () -> ()
    }
    %scan3A_26 = arith.constant 10 : i32
    %barrier3A_27 = arith.constant 0 : index
    tpu.barrier barrier_id(%barrier3A_27)
    %mul3A_28 = arith.constant 640 : i32
    %mul3A_29 = arith.muli %arg1, %mul3A_28 : i32
    "tpu.region"() ({
      %run_scoped3A = tpu.sem_alloc : memref<!tpu.dma_semaphore, #tpu.memory_space<semaphore_mem>>
      %dma_start3A = arith.constant 0 : i32
      %dma_start3A_30 = tpu.memref_slice %arg3[%arg0, %mul3A_29, %dma_start3A] : memref<2x10240x128xf32, #tpu.memory_space<hbm>> -> memref<1x640x128xf32, #tpu.memory_space<hbm>>
      %dma_start3A_31 = tpu.memref_squeeze %dma_start3A_30 : memref<1x640x128xf32, #tpu.memory_space<hbm>> -> memref<640x128xf32, #tpu.memory_space<hbm>>
      %dma_start3A_32 = arith.constant 0 : i32
      %dma_start3A_33 = tpu.memref_slice %arg7[%mul3A_29, %dma_start3A_32] : memref<10240x128xf32, #tpu.memory_space<vmem_shared>> -> memref<640x128xf32, #tpu.memory_space<vmem_shared>>
      tpu.enqueue_dma source(%dma_start3A_33 : memref<640x128xf32, #tpu.memory_space<vmem_shared>>) target(%dma_start3A_31 : memref<640x128xf32, #tpu.memory_space<hbm>>) target_semaphore(%run_scoped3A : memref<!tpu.dma_semaphore, #tpu.memory_space<semaphore_mem>>)
      %dma_wait3A = arith.constant 0 : i32
      %dma_wait3A_34 = tpu.memref_slice %arg3[%arg0, %mul3A_29, %dma_wait3A] : memref<2x10240x128xf32, #tpu.memory_space<hbm>> -> memref<1x640x128xf32, #tpu.memory_space<hbm>>
      %dma_wait3A_35 = tpu.memref_squeeze %dma_wait3A_34 : memref<1x640x128xf32, #tpu.memory_space<hbm>> -> memref<640x128xf32, #tpu.memory_space<hbm>>
      %dma_wait3A_36 = arith.constant 0 : i32
      %dma_wait3A_37 = tpu.memref_slice %arg7[%mul3A_29, %dma_wait3A_36] : memref<10240x128xf32, #tpu.memory_space<vmem_shared>> -> memref<640x128xf32, #tpu.memory_space<vmem_shared>>
      tpu.wait_dma2 semaphore(%run_scoped3A : memref<!tpu.dma_semaphore, #tpu.memory_space<semaphore_mem>>) src(%dma_wait3A_37 : memref<640x128xf32, #tpu.memory_space<vmem_shared>>) dst(%dma_wait3A_35 : memref<640x128xf32, #tpu.memory_space<hbm>>)
      tpu.yield
    }) : () -> ()
    return
  }
}

</mosaic_0001>

<sc_bundles>
// kernel: _sc_degree.3.cloned.1.call-start
scs
__scs_entry_jumppad:
0x0: {  	(pc) =	sbr.rel $0x88, $3  }
0x1: {  	(tag) =	ssettag $0x0;
	lr =	simm.s32 $0x1  }
0x2: {  	[smem:$0x3FA0] =	sst lr;
	_ =	strace $0xD0000000  }
0x3: {  	_ = 	snop  }
0x4: {  	_ = 	snop  }
0x5: {  	_ = 	snop  }
0x6: {  	_ = 	snop  }
0x7: {  	_ = 	snop  }
__scs_overlays_trampoline_lowered:
0x8: {  	[smem:$0x3FAF] =	sst s0  }
0x9: {  	[smem:$0x3FB0] =	sst s1  }
0xa: {  	[smem:$0x3FB1] =	sst s2  }
0xb: {  	[smem:$0x3FB2] =	sst s3  }
0xc: {  	[smem:$0x3FB3] =	sst s4  }
0xd: {  	[smem:$0x3FB4] =	sst s5  }
0xe: {  	[smem:$0x3FB5] =	sst s6  }
0xf: {  	[smem:$0x3FB6] =	sst s7  }
0x10: {  	[smem:$0x3FB7] =	sst s8  }
0x11: {  	[smem:$0x3FB8] =	sst s9;
	s0 =	simm.s32 @!p0 $0x0  }
0x12: {  	s1 =	sld [smem:$0x3F9E];
	s0 =	simm.s32 @p0 $0x1  }
0x13: {  	[smem:$0x3FB9] =	sst s0;
	s0 =	simm.s32 @!p1 $0x0  }
0x14: {  	s2 =	sld [smem:$0x3F9D];
	s0 =	simm.s32 @p1 $0x1  }
0x15: {  	[smem:$0x3FBA] =	sst s0;
	s0 =	simm.s32 @!p2 $0x0  }
0x16: {  	s3 =	sld [smem:$0x3FDB];
	s0 =	simm.s32 @p2 $0x1  }
0x17: {  	s4 =	simm.s32 $0x1BF5;
	[smem:$0x3FBC] =	sst s0  }
0x18: {  	s0 =	sld [smem:$0x3F9F];
	_ =	swait.ge [sflag:s4], $0x0  }
0x19: {  	s7 =	sld [smem:$0x3FA0]  }
0x1a: {  	s8 =	sadd.s32 $0xFFFFE003, lr  }
0x1b: {  	s9 =	sadd.s32 $0xFFFFFEF7, lr;
	s5 =	simm.s32 $0xFFFFFFFF;
	p2 =	slt.u32 s8, $0xFFFFF086  }
0x1c: {  	p1 =	slt.u32 s9, $0xF7A;
	s5 =	simm.s32 @!p2 $0x0  }
0x1d: {  	s5 =	simm.s32 @p1 $0x1;
	p0 =	seq.s32 s7, s2  }
0x1e: {  	s7 =	smul.u32 @!p0 $0xF7A, s2;
	p2 =	seq.s32 @!p0 s5, $0x0  }
0x1f: {  	s9 =	smul.u32 $0xF7A, s1;
	s8 =	simm.s32 @!p0 $0x1BF5;
	p2 =	por !p2, p0  }
0x20: {  	[sflag:s8] =	ssyncset.s32 @!p0 $0xFFFFF086;
	s6 =	sadd.s32 @!p0 s3, s7;
	s7 =	simm.s32 @!p0 $0x108  }
0x21: {  	s3 =	sadd.s32 s3, s9;
	s6 =	sadd.s32 @!p0 $0x88, s6;
	s7 =	simm.s32 @p2 $0x1082  }
0x22: {  	[simem:s7], [sflag:s8] =	dma.local @!p0 [hbm:s6], $0xF7A  }
0x23: {  	s9 =	sor.u32 $0xD0000000, s2;
	s6 =	simm.s32 $0x108;
	_ =	swait.ge @!p0 [sflag:s8], $0x0  }
0x24: {  	s3 =	sadd.s32 $0x88, s3;
	s6 =	simm.s32 @!p1 $0x1082;
	[sflag:s4] =	ssyncset.s32 $0xFFFFF086  }
0x25: {  	[simem:s6], [sflag:s4] =	dma.local [hbm:s3], $0xF7A  }
0x26: {  	[smem:$0x3FA0] =	sst s1;
	(tag) =	ssettag s2;
	_ =	strace s9  }
0x27: {  	s1 =	sld [smem:$0x3FB0]  }
0x28: {  	s2 =	sld [smem:$0x3FB1]  }
0x29: {  	s4 =	sld [smem:$0x3FB3]  }
0x2a: {  	p0 =	seq.s32 s5, $0x0;
	s5 =	sld [smem:$0x3FB4]  }
0x2b: {  	s6 =	sld [smem:$0x3FB5]  }
0x2c: {  	s7 =	sld [smem:$0x3FB6]  }
0x2d: {  	s3 =	simm.s32 $0x108;
	s8 =	sld [smem:$0x3FB7]  }
0x2e: {  	s3 =	simm.s32 @!p0 $0x1082;
	s9 =	sld [smem:$0x3FB8]  }
0x2f: {  	lr =	sadd.s32 s0, s3;
	s0 =	sld [smem:$0x3FAF]  }
0x30: {  	s3 =	sld [smem:$0x3FB2]  }
0x31: {  	[smem:$0x3FBB] =	sst s10  }
0x32: {  	s10 =	sld [smem:$0x3FB9];
	_ =	sdelay $0x3  }
0x33: {  	p0 =	seq.s32 s10, $0x1;
	s10 =	sld [smem:$0x3FBB];
	_ =	sdelay $0x3  }
0x34: {  	[smem:$0x3FBB] =	sst s10  }
0x35: {  	s10 =	sld [smem:$0x3FBA];
	_ =	sdelay $0x3  }
0x36: {  	p1 =	seq.s32 s10, $0x1;
	s10 =	sld [smem:$0x3FBB];
	_ =	sdelay $0x3  }
0x37: {  	[smem:$0x3FBB] =	sst s10  }
0x38: {  	s10 =	sld [smem:$0x3FBC]  }
0x39: {  	_ = 	snop;
	(pc) =	sbr.ind lr, $3  }
0x3a: {  	_ = 	snop  }
0x3b: {  	_ = 	snop  }
0x3c: {  	p2 =	seq.s32 s10, $0x1;
	s10 =	sld [smem:$0x3FBB]  }
0x3d: {  	_ =	shalt  }
0x3e: {  	_ =	shalt  }
0x3f: {  	_ =	shalt  }
0x40: {  	_ =	shalt  }
0x41: {  	_ =	shalt  }
0x42: {  	_ =	shalt  }
0x43: {  	_ =	shalt  }
0x44: {  	_ =	shalt  }
0x45: {  	_ =	shalt  }
0x46: {  	_ =	shalt  }
0x47: {  	_ =	shalt  }
0x48: {  	_ =	shalt  }
0x49: {  	_ =	shalt  }
0x4a: {  	_ =	shalt  }
0x4b: {  	_ =	shalt  }
0x4c: {  	_ =	shalt  }
0x4d: {  	_ =	shalt  }
0x4e: {  	_ =	shalt  }
0x4f: {  	_ =	shalt  }
0x50: {  	_ =	shalt  }
0x51: {  	_ =	shalt  }
0x52: {  	_ =	shalt  }
0x53: {  	_ =	shalt  }
0x54: {  	_ =	shalt  }
0x55: {  	_ =	shalt  }
0x56: {  	_ =	shalt  }
0x57: {  	_ =	shalt  }
0x58: {  	_ =	shalt  }
0x59: {  	_ =	shalt  }
0x5a: {  	_ =	shalt  }
0x5b: {  	_ =	shalt  }
0x5c: {  	_ =	shalt  }
0x5d: {  	_ =	shalt  }
0x5e: {  	_ =	shalt  }
0x5f: {  	_ =	shalt  }
0x60: {  	_ =	shalt  }
0x61: {  	_ =	shalt  }
0x62: {  	_ =	shalt  }
0x63: {  	_ =	shalt  }
0x64: {  	_ =	shalt  }
0x65: {  	_ =	shalt  }
0x66: {  	_ =	shalt  }
0x67: {  	_ =	shalt  }
0x68: {  	_ =	shalt  }
0x69: {  	_ =	shalt  }
0x6a: {  	_ =	shalt  }
0x6b: {  	_ =	shalt  }
0x6c: {  	_ =	shalt  }
0x6d: {  	_ =	shalt  }
0x6e: {  	_ =	shalt  }
0x6f: {  	_ =	shalt  }
0x70: {  	_ =	shalt  }
0x71: {  	_ =	shalt  }
0x72: {  	_ =	shalt  }
0x73: {  	_ =	shalt  }
0x74: {  	_ =	shalt  }
0x75: {  	_ =	shalt  }
0x76: {  	_ =	shalt  }
0x77: {  	_ =	shalt  }
0x78: {  	_ =	shalt  }
0x79: {  	_ =	shalt  }
0x7a: {  	_ =	shalt  }
0x7b: {  	_ =	shalt  }
0x7c: {  	_ =	shalt  }
0x7d: {  	_ =	shalt  }
0x7e: {  	_ =	shalt  }
0x7f: {  	_ =	shalt  }
0x80: {  	_ =	shalt  }
0x81: {  	_ =	shalt  }
0x82: {  	_ =	shalt  }
0x83: {  	_ =	shalt  }
0x84: {  	_ =	shalt  }
0x85: {  	_ =	shalt  }
0x86: {  	_ =	shalt  }
0x87: {  	_ =	shalt  }
.Lfunc_end0:
.L_simem_size_0:
called_computation_lowered:
.L_overlay_start_0:
0x88: {  	s2 =	sld [smem:$0x3FD9]  }
0x89: {  	s3 =	sld [smem:$0x3FFE];
	_ =	sdelay $0x1  }
0x8a: {  	s1 =	srdreg.scid  }
0x8b: {  	s0 =	sand.u32 $0x1, s1  }
0x8c: {  	s18 =	sshll.u32 s0, $0xA;
	s2 =	sadd.s32 s3, s2  }
0x8d: {  	s2 =	sadd.s32 s2, s18  }
0x8e: {  	[smem:$0x3FC7] =	sst s2  }
0x8f: {  	_ = 	snop  }
0x90: {  	s2 =	sld [smem:$0x3FC9]  }
0x91: {  	s19 =	sld [smem:$0x3FD0];
	(tm) =	ssettm $0x1  }
0x92: {  	s4 =	sld [smem:$0x3FFB];
	_ =	sdelay $0x3  }
0x93: {  	_ =	strace s4  }
0x94: {  	s4 =	sld [smem:$0x3FFC];
	_ =	sdelay $0x3  }
0x95: {  	_ =	strace s4  }
0x96: {  	s4 =	sld [smem:$0x3FFD];
	_ =	sdelay $0x3  }
0x97: {  	_ =	strace s4  }
0x98: {  	_ =	strace $0x8FFFFFFF  }
0x99: {  	s20 =	sld [smem:$0x3FDB];
	_ =	sdelay $0x1  }
0x9a: {  	s5 =	simm.s32 $_scs_section_size  }
0x9b: {  	s6 =	simm.s32 $_size__tile_overlayer_lowered;
	s7 =	simm.s32 $_tile_overlayer_lowered  }
0x9c: {  	s23 =	simm.s32 $0x1BFF;
	s22 =	sshll.u32 s7, $0x1;
	s4 =	sadd.s32 s5, s20  }
0x9d: {  	s8 =	simm.s32 $0x0;
	s21 =	sshll.u32 s6, $0x1;
	s6 =	sadd.s32 s22, s4  }
0x9e: {  	[timem:s8], [sflag:s23] =	dma.local [hbm:s6], s21  }
0x9f: {  	_ =	swait.ge [sflag:s23], s21  }
0xa0: {  	s5 =	ssub.s32 $0x0, s21;
	[sflag:s23] =	ssyncset.done $0x0  }
0xa1: {  	[sflag:s23] =	ssyncadd.s32 s5;
	_ =	sdelay $0x1  }
0xa2: {  	s24 =	simm.s32 $0x1B8B  }
0xa3: {  	_ =	swait.ge [sflag:s24], $0x1  }
0xa4: {  	[sflag:s24] =	ssyncset.done $0x0  }
0xa5: {  	s25 =	simm.s32 $0x1B8E;
	[sflag:s24] =	ssyncadd.s32 $0xFFFFFFFF  }
0xa6: {  	s26 =	simm.s32 $execute0_lowered;
	[smem:$0x3FD2] =	sst s25  }
0xa7: {  	s5 =	sshll.u32 s26, $0x1;
	_ =	strace $0x80000046;
	[dreg:$0x1] =	wrdreg $0xFFFFFFFF  }
0xa8: {  	s28 =	simm.s32 $_size_execute0_lowered;
	s4 =	sadd.s32 s4, s5;
	[dreg:$0x0] =	wrdreg $0x0  }
0xa9: {  	s5 =	sshll.u32 s28, $0x1;
	[dreg:$0x2] =	wrdreg s4  }
0xaa: {  	[dreg:$0x3] =	wrdreg s5  }
0xab: {  	[dreg:$0x4] =	wrdreg $0xC0  }
0xac: {  	_ =	task [dreg:s8], $0x5FFFF  }
0xad: {  	[dreg:$0x1] =	wrdreg $0xFFFFFFFF  }
0xae: {  	[dreg:$0x0] =	wrdreg $0x60  }
0xaf: {  	[dreg:$0x2] =	wrdreg s2  }
0xb0: {  	[dreg:$0x3] =	wrdreg s19  }
0xb1: {  	[dreg:$0x4] =	wrdreg $0x4C000  }
0xb2: {  	[dreg:$0x5] =	wrdreg $0x9  }
0xb3: {  	_ =	task.clear_ibuf [dreg:s8], $0x6FFFF;
	_ =	strace $0x90000046  }
0xb4: {  	s29 =	simm.s32 $0x9;
	_ =	strace $0x80000048  }
0xb5: {  	_ =	swait.ge [sflag:s29], $0x1  }
0xb6: {  	[sflag:s29] =	ssyncadd.s32 $0xFFFFFFFF  }
0xb7: {  	_ =	strace $0x90000048  }
0xb8: {  	_ =	sfence  }
0xb9: {  	s30 =	sld [smem:$0x0];
	_ =	sdelay $0x2  }
0xba: {  	s31 =	sshll.u32 s1, $0xD;
	s1 =	sshrl.u32 s1, $0x2  }
0xbb: {  	s3 =	sand.u32 $0x4000, s31;
	s1 =	sadd.s32 s1, s30  }
0xbc: {  	s0 =	sor.u32 s3, s0;
	s1 =	sshll.u32 s1, $0x11  }
0xbd: {  	s0 =	sor.u32 s1, s0  }
0xbe: {  	s0 =	sadd.s32 $0x8F2B, s0  }
0xbf: {  	[sflag:s0] =	ssyncadd.remote.s32 $0x1  }
0xc0: {  	_ =	sfence.sel $0xFFFF  }
0xc1: {  	[dreg:$0x0] =	wrdreg $0xFFFFFFFF;
	(pc) =	sbr.abs _section_cstart, $3  }
0xc2: {  	[dreg:$0x1] =	wrdreg $0xFFFFFFFF  }
0xc3: {  	_ =	task.clear_ibuf [dreg:s8], $0x2FFFF;
	_ =	strace $0x9FFFFFFF  }
0xc4: {  	(tm) =	ssettm $0x7FFFFFFF  }
0xc5: {  	_ =	shalt  }
tec
execute0_lowered:
.L_overlay_start_1:
0x0: {  	(tag) =	ssettag $0x1  }
0x1: {  	s7 =	rddreg [dreg:$0x0]  }
0x2: {  	s5 =	rddreg [dreg:$0x1]  }
0x3: {  	s2 =	rddreg [dreg:$0x2];
	s3 =	srdreg.scid  }
0x4: {  	s1 =	stileid.u32;
	s0 =	rddreg [dreg:$0x3];
	s12 =	simm.s32 $0x100  }
0x5: {  	s13 =	simm.s32 $0x180;
	s14 =	simm.s32 $0x200;
	s6 =	smul.u32 $0x50000, s1  }
0x6: {  	s15 =	simm.s32 $0x280;
	s16 =	simm.s32 $0x300;
	s11 =	smul.u32 $0x14000, s1  }
0x7: {  	s17 =	simm.s32 $0x380;
	s4 =	sand.u32 $0x1, s3;
	s31 =	smul.u32 $0x500, s1  }
0x8: {  	s18 =	simm.s32 $0x0;
	s3 =	simm.s32 $0x0;
	s9 =	smul.u32 $0x140000, s4  }
0x9: {  	s8 =	ssub.s32 $0x2, s4;
	[smem:$0x7FF] =	sst s3;
	s29 =	smul.u32 $0x5000, s4  }
0xa: {  	s10 =	sshrl.u32 s8, $0x1;
	_ =	strace $0x80000047;
	s6 =	sshrl.u32 s6, $0x2  }
0xb: {  	s8 =	ssub.s32 s8, s10;
	s9 =	sadd.s32 s11, s9;
	s4 =	sadd.s32 s6, s2  }
0xc: {  	s7 =	sadd.s32 s29, s7;
	s10 =	simm.s32 $0x80;
	s11 =	simm.s32 $0x400  }
0xd: {  	s30 =	sshrl.u32 s9, $0x3;
	s6 =	smax.u32 s8, $0x1;
	s7 =	sadd.s32 s31, s7  }
0xe: {  	v0 =	vimm.f32 $1.000000000e+00;
	v1 =	vimm.f32 $0.0e+00;
	s8 =	simm.s32 $0x4400;
	s9 =	simm.s32 $0x1;
	s5 =	sadd.s32 s5, s30  }
.LBB2_1:
0xf: {  	s19 =	simm.s32 $0x0;
	s20 =	simm.s32 $0x200  }
.LBB2_2:
0x10: {  	p0 =	sne.s32 s20, $0xFE00;
	[tilespmem:s19+$0x470] =	vst v0  }
0x11: {  	[tilespmem:s19+$0x400] =	vst v0  }
0x12: {  	[tilespmem:s19+$0x410] =	vst v0  }
.Ltmp0:
0x13: {  	[tilespmem:s19+$0x420] =	vst v0;
	(pc) =	sbr.rel @p0 .LBB2_2-.Ltmp0, $4  }
0x14: {  	[tilespmem:s19+$0x430] =	vst v0  }
0x15: {  	[tilespmem:s19+$0x440] =	vst v0  }
0x16: {  	[tilespmem:s19+$0x450] =	vst v0  }
0x17: {  	[tilespmem:s19+$0x460] =	vst v0;
	s19 =	sshra.s32 s20, $0x2;
	s20 =	sadd.s32 $0x200, s20  }
0x18: {  	[tilespmem:s19+$0x470] =	vst v0  }
0x19: {  	[tilespmem:s19+$0x400] =	vst v0  }
0x1a: {  	[tilespmem:s19+$0x410] =	vst v0  }
0x1b: {  	[tilespmem:s19+$0x420] =	vst v0  }
0x1c: {  	[tilespmem:s19+$0x430] =	vst v0  }
0x1d: {  	[tilespmem:s19+$0x440] =	vst v0  }
0x1e: {  	[tilespmem:s19+$0x450] =	vst v0  }
0x1f: {  	[tilespmem:s19+$0x460] =	vst v0;
	s19 =	simm.s32 $0x0;
	s20 =	simm.s32 $0x200  }
.LBB2_4:
0x20: {  	p0 =	sne.s32 s20, $0x1E00;
	[tilespmem:s19+$0x4470] =	vst v1  }
0x21: {  	[tilespmem:s19+$0x4400] =	vst v1  }
0x22: {  	[tilespmem:s19+$0x4410] =	vst v1  }
.Ltmp1:
0x23: {  	[tilespmem:s19+$0x4420] =	vst v1;
	(pc) =	sbr.rel @p0 .LBB2_4-.Ltmp1, $4  }
0x24: {  	[tilespmem:s19+$0x4430] =	vst v1  }
0x25: {  	[tilespmem:s19+$0x4440] =	vst v1  }
0x26: {  	[tilespmem:s19+$0x4450] =	vst v1  }
0x27: {  	[tilespmem:s19+$0x4460] =	vst v1;
	s19 =	sshra.s32 s20, $0x2;
	s20 =	sadd.s32 $0x200, s20  }
0x28: {  	[tilespmem:s19+$0x4470] =	vst v1  }
0x29: {  	[tilespmem:s19+$0x4400] =	vst v1  }
0x2a: {  	[tilespmem:s19+$0x4410] =	vst v1  }
0x2b: {  	[tilespmem:s19+$0x4420] =	vst v1  }
0x2c: {  	[tilespmem:s19+$0x4430] =	vst v1  }
0x2d: {  	[tilespmem:s19+$0x4440] =	vst v1  }
0x2e: {  	[tilespmem:s19+$0x4450] =	vst v1  }
0x2f: {  	[tilespmem:s19+$0x4460] =	vst v1;
	s31 =	sadd.s32 $0x0, s4  }
0x30: {  	[spmem:s31] =	stream.linear.scatter [tilespmem:s8], [sflag:$0x1], $0x800, $0x38;
	[tilespmem:$0x18C00] =	vst v63  }
0x31: {  	s19 =	simm.s32 $0x2000;
	_ =	swait.ge [sflag:s9], $0x800  }
.LBB2_6:
0x32: {  	s20 =	sshra.s32 s19, $0x2;
	[sflag:s9] =	ssyncset.done $0x0;
	p0 =	sne.s32 s19, $0x4E000  }
.Ltmp2:
0x33: {  	s20 =	sadd.s32 s20, s4;
	[sflag:s9] =	ssyncadd.s32 $0xFFFFF800;
	(pc) =	sbr.rel @p0 .LBB2_6-.Ltmp2, $3  }
0x34: {  	[spmem:s20] =	stream.linear.scatter [tilespmem:s8], [sflag:$0x1], $0x800, $0x38;
	[tilespmem:$0x18C00] =	vst v63  }
0x35: {  	s19 =	sadd.s32 $0x2000, s19;
	_ =	sdelay $0x1  }
0x36: {  	_ =	swait.ge [sflag:s9], $0x800  }
0x37: {  	[sflag:s9] =	ssyncset.done $0x0  }
0x38: {  	[sflag:s9] =	ssyncadd.s32 $0xFFFFF800  }
0x39: {  	s19 =	sadd.s32 $0x0, s7;
	[bflag:$0x0] =	sbarrier.arrive $0xFFFF  }
0x3a: {  	[tilespmem:s3], [sflag:$0x1] =	stream.linear.gather [hbm4b:s19+s3], $0x400, $0x38;
	[tilespmem:$0x18C00] =	vst v63  }
0x3b: {  	_ =	swait.ge [sflag:s9], $0x400  }
0x3c: {  	[sflag:s9] =	ssyncset.done $0x0  }
0x3d: {  	[sflag:s9] =	ssyncadd.s32 $0xFFFFFC00  }
0x3e: {  	[spmem:s2] =	stream.indirect.scatter.add.f32 [tilespmem:s11], [sflag:$0x1], $0x80, s3, s10, $0xb8;
	[tilespmem:$0x18C00] =	vst v63  }
0x3f: {  	_ =	swait.ge [sflag:s9], $0x4000  }
0x40: {  	[sflag:s9] =	ssyncset.done $0x0  }
0x41: {  	[sflag:s9] =	ssyncadd.s32 $0xFFFFC000  }
0x42: {  	[spmem:s2] =	stream.indirect.scatter.add.f32 [tilespmem:s11], [sflag:$0x1], $0x80, s10, s10, $0xb8;
	[tilespmem:$0x18C00] =	vst v63  }
0x43: {  	_ =	swait.ge [sflag:s9], $0x4000  }
0x44: {  	[sflag:s9] =	ssyncset.done $0x0  }
0x45: {  	[sflag:s9] =	ssyncadd.s32 $0xFFFFC000  }
0x46: {  	[spmem:s2] =	stream.indirect.scatter.add.f32 [tilespmem:s11], [sflag:$0x1], $0x80, s12, s10, $0xb8;
	[tilespmem:$0x18C00] =	vst v63  }
0x47: {  	_ =	swait.ge [sflag:s9], $0x4000  }
0x48: {  	[sflag:s9] =	ssyncset.done $0x0  }
0x49: {  	[sflag:s9] =	ssyncadd.s32 $0xFFFFC000  }
0x4a: {  	[spmem:s2] =	stream.indirect.scatter.add.f32 [tilespmem:s11], [sflag:$0x1], $0x80, s13, s10, $0xb8;
	[tilespmem:$0x18C00] =	vst v63  }
0x4b: {  	_ =	swait.ge [sflag:s9], $0x4000  }
0x4c: {  	[sflag:s9] =	ssyncset.done $0x0  }
0x4d: {  	[sflag:s9] =	ssyncadd.s32 $0xFFFFC000  }
0x4e: {  	[spmem:s2] =	stream.indirect.scatter.add.f32 [tilespmem:s11], [sflag:$0x1], $0x80, s14, s10, $0xb8;
	[tilespmem:$0x18C00] =	vst v63  }
0x4f: {  	_ =	swait.ge [sflag:s9], $0x4000  }
0x50: {  	[sflag:s9] =	ssyncset.done $0x0  }
0x51: {  	[sflag:s9] =	ssyncadd.s32 $0xFFFFC000  }
0x52: {  	[spmem:s2] =	stream.indirect.scatter.add.f32 [tilespmem:s11], [sflag:$0x1], $0x80, s15, s10, $0xb8;
	[tilespmem:$0x18C00] =	vst v63  }
0x53: {  	_ =	swait.ge [sflag:s9], $0x4000  }
0x54: {  	[sflag:s9] =	ssyncset.done $0x0  }
0x55: {  	[sflag:s9] =	ssyncadd.s32 $0xFFFFC000  }
0x56: {  	[spmem:s2] =	stream.indirect.scatter.add.f32 [tilespmem:s11], [sflag:$0x1], $0x80, s16, s10, $0xb8;
	[tilespmem:$0x18C00] =	vst v63  }
0x57: {  	_ =	swait.ge [sflag:s9], $0x4000  }
0x58: {  	[sflag:s9] =	ssyncset.done $0x0  }
0x59: {  	[sflag:s9] =	ssyncadd.s32 $0xFFFFC000  }
0x5a: {  	[spmem:s2] =	stream.indirect.scatter.add.f32 [tilespmem:s11], [sflag:$0x1], $0x80, s17, s10, $0xb8;
	[tilespmem:$0x18C00] =	vst v63  }
0x5b: {  	_ =	swait.ge [sflag:s9], $0x4000  }
0x5c: {  	s21 =	simm.s32 $0x100;
	s19 =	simm.s32 $0x80;
	[sflag:s9] =	ssyncset.done $0x0  }
.LBB2_8:
0x5d: {  	s22 =	sadd.s32 s19, s7  }
0x5e: {  	[sflag:s9] =	ssyncadd.s32 $0xFFFFC000;
	s19 =	smov.u32 s21;
	s20 =	sadd.s32 $0x80, s21  }
0x5f: {  	[tilespmem:s3], [sflag:$0x1] =	stream.linear.gather [hbm4b:s22+s3], $0x400, $0x38;
	[tilespmem:$0x18C00] =	vst v63  }
0x60: {  	p0 =	sne.s32 s21, $0x480;
	_ =	swait.ge [sflag:s9], $0x400  }
0x61: {  	[sflag:s9] =	ssyncset.done $0x0  }
0x62: {  	[sflag:s9] =	ssyncadd.s32 $0xFFFFFC00  }
0x63: {  	[spmem:s2] =	stream.indirect.scatter.add.f32 [tilespmem:s11], [sflag:$0x1], $0x80, s3, s10, $0xb8;
	[tilespmem:$0x18C00] =	vst v63  }
0x64: {  	_ =	swait.ge [sflag:s9], $0x4000  }
0x65: {  	[sflag:s9] =	ssyncset.done $0x0  }
0x66: {  	[sflag:s9] =	ssyncadd.s32 $0xFFFFC000  }
0x67: {  	[spmem:s2] =	stream.indirect.scatter.add.f32 [tilespmem:s11], [sflag:$0x1], $0x80, s10, s10, $0xb8;
	[tilespmem:$0x18C00] =	vst v63  }
0x68: {  	_ =	swait.ge [sflag:s9], $0x4000  }
0x69: {  	[sflag:s9] =	ssyncset.done $0x0  }
0x6a: {  	[sflag:s9] =	ssyncadd.s32 $0xFFFFC000  }
0x6b: {  	[spmem:s2] =	stream.indirect.scatter.add.f32 [tilespmem:s11], [sflag:$0x1], $0x80, s12, s10, $0xb8;
	[tilespmem:$0x18C00] =	vst v63  }
0x6c: {  	_ =	swait.ge [sflag:s9], $0x4000  }
0x6d: {  	[sflag:s9] =	ssyncset.done $0x0  }
0x6e: {  	[sflag:s9] =	ssyncadd.s32 $0xFFFFC000  }
0x6f: {  	[spmem:s2] =	stream.indirect.scatter.add.f32 [tilespmem:s11], [sflag:$0x1], $0x80, s13, s10, $0xb8;
	[tilespmem:$0x18C00] =	vst v63  }
0x70: {  	_ =	swait.ge [sflag:s9], $0x4000  }
0x71: {  	[sflag:s9] =	ssyncset.done $0x0  }
0x72: {  	[sflag:s9] =	ssyncadd.s32 $0xFFFFC000  }
0x73: {  	[spmem:s2] =	stream.indirect.scatter.add.f32 [tilespmem:s11], [sflag:$0x1], $0x80, s14, s10, $0xb8;
	[tilespmem:$0x18C00] =	vst v63  }
0x74: {  	_ =	swait.ge [sflag:s9], $0x4000  }
0x75: {  	[sflag:s9] =	ssyncset.done $0x0  }
0x76: {  	[sflag:s9] =	ssyncadd.s32 $0xFFFFC000  }
0x77: {  	[spmem:s2] =	stream.indirect.scatter.add.f32 [tilespmem:s11], [sflag:$0x1], $0x80, s15, s10, $0xb8;
	[tilespmem:$0x18C00] =	vst v63  }
0x78: {  	_ =	swait.ge [sflag:s9], $0x4000  }
0x79: {  	[sflag:s9] =	ssyncset.done $0x0  }
0x7a: {  	[sflag:s9] =	ssyncadd.s32 $0xFFFFC000  }
0x7b: {  	[spmem:s2] =	stream.indirect.scatter.add.f32 [tilespmem:s11], [sflag:$0x1], $0x80, s16, s10, $0xb8;
	[tilespmem:$0x18C00] =	vst v63  }
0x7c: {  	_ =	swait.ge [sflag:s9], $0x4000  }
.Ltmp3:
0x7d: {  	[sflag:s9] =	ssyncset.done $0x0;
	(pc) =	sbr.rel @p0 .LBB2_8-.Ltmp3, $4  }
0x7e: {  	[sflag:s9] =	ssyncadd.s32 $0xFFFFC000  }
0x7f: {  	[spmem:s2] =	stream.indirect.scatter.add.f32 [tilespmem:s11], [sflag:$0x1], $0x80, s17, s10, $0xb8;
	[tilespmem:$0x18C00] =	vst v63  }
0x80: {  	_ =	swait.ge [sflag:s9], $0x4000  }
0x81: {  	s21 =	smov.u32 s20;
	[sflag:s9] =	ssyncset.done $0x0  }
0x82: {  	s19 =	sadd.s32 s19, s7;
	[sflag:s9] =	ssyncadd.s32 $0xFFFFC000  }
0x83: {  	[tilespmem:s3], [sflag:$0x1] =	stream.linear.gather [hbm4b:s19+s3], $0x400, $0x38;
	[tilespmem:$0x18C00] =	vst v63  }
0x84: {  	_ =	swait.ge [sflag:s9], $0x400  }
0x85: {  	[sflag:s9] =	ssyncset.done $0x0  }
0x86: {  	[sflag:s9] =	ssyncadd.s32 $0xFFFFFC00  }
0x87: {  	[spmem:s2] =	stream.indirect.scatter.add.f32 [tilespmem:s11], [sflag:$0x1], $0x80, s3, s10, $0xb8;
	[tilespmem:$0x18C00] =	vst v63  }
0x88: {  	_ =	swait.ge [sflag:s9], $0x4000  }
0x89: {  	[sflag:s9] =	ssyncset.done $0x0  }
0x8a: {  	[sflag:s9] =	ssyncadd.s32 $0xFFFFC000  }
0x8b: {  	[spmem:s2] =	stream.indirect.scatter.add.f32 [tilespmem:s11], [sflag:$0x1], $0x80, s10, s10, $0xb8;
	[tilespmem:$0x18C00] =	vst v63  }
0x8c: {  	_ =	swait.ge [sflag:s9], $0x4000  }
0x8d: {  	[sflag:s9] =	ssyncset.done $0x0  }
0x8e: {  	[sflag:s9] =	ssyncadd.s32 $0xFFFFC000  }
0x8f: {  	[spmem:s2] =	stream.indirect.scatter.add.f32 [tilespmem:s11], [sflag:$0x1], $0x80, s12, s10, $0xb8;
	[tilespmem:$0x18C00] =	vst v63  }
0x90: {  	_ =	swait.ge [sflag:s9], $0x4000  }
0x91: {  	[sflag:s9] =	ssyncset.done $0x0  }
0x92: {  	[sflag:s9] =	ssyncadd.s32 $0xFFFFC000  }
0x93: {  	[spmem:s2] =	stream.indirect.scatter.add.f32 [tilespmem:s11], [sflag:$0x1], $0x80, s13, s10, $0xb8;
	[tilespmem:$0x18C00] =	vst v63  }
0x94: {  	_ =	swait.ge [sflag:s9], $0x4000  }
0x95: {  	[sflag:s9] =	ssyncset.done $0x0  }
0x96: {  	[sflag:s9] =	ssyncadd.s32 $0xFFFFC000  }
0x97: {  	[spmem:s2] =	stream.indirect.scatter.add.f32 [tilespmem:s11], [sflag:$0x1], $0x80, s14, s10, $0xb8;
	[tilespmem:$0x18C00] =	vst v63  }
0x98: {  	_ =	swait.ge [sflag:s9], $0x4000  }
0x99: {  	[sflag:s9] =	ssyncset.done $0x0  }
0x9a: {  	[sflag:s9] =	ssyncadd.s32 $0xFFFFC000  }
0x9b: {  	[spmem:s2] =	stream.indirect.scatter.add.f32 [tilespmem:s11], [sflag:$0x1], $0x80, s15, s10, $0xb8;
	[tilespmem:$0x18C00] =	vst v63  }
0x9c: {  	_ =	swait.ge [sflag:s9], $0x4000  }
0x9d: {  	[sflag:s9] =	ssyncset.done $0x0  }
0x9e: {  	[sflag:s9] =	ssyncadd.s32 $0xFFFFC000  }
0x9f: {  	[spmem:s2] =	stream.indirect.scatter.add.f32 [tilespmem:s11], [sflag:$0x1], $0x80, s16, s10, $0xb8;
	[tilespmem:$0x18C00] =	vst v63  }
0xa0: {  	_ =	swait.ge [sflag:s9], $0x4000  }
0xa1: {  	[sflag:s9] =	ssyncset.done $0x0  }
0xa2: {  	[sflag:s9] =	ssyncadd.s32 $0xFFFFC000  }
0xa3: {  	[spmem:s2] =	stream.indirect.scatter.add.f32 [tilespmem:s11], [sflag:$0x1], $0x80, s17, s10, $0xb8;
	[tilespmem:$0x18C00] =	vst v63  }
0xa4: {  	_ =	swait.ge [sflag:s9], $0x4000  }
0xa5: {  	s31 =	sshll.u32 s1, $0x6;
	s18 =	sadd.s32 $0x1, s18;
	[sflag:s9] =	ssyncset.done $0x0  }
0xa6: {  	s20 =	sshrl.u32 s4, $0x3;
	p0 =	sne.s32 s18, s6;
	[sflag:s9] =	ssyncadd.s32 $0xFFFFC000  }
.Ltmp4:
0xa7: {  	s19 =	sor.u32 $0x1C01, s31;
	[bflag:$0x0] =	sbarrier.arrive $0xFFFF;
	(pc) =	sbr.rel @p0 .LBB2_1-.Ltmp4, $4  }
0xa8: {  	[hbm:s5], [sflag:s19] =	dma.local [spmem:s20], $0x2800  }
0xa9: {  	_ =	swait.ge [sflag:s9], $0x2800  }
0xaa: {  	[sflag:s9] =	ssyncset.done $0x0  }
0xab: {  	[sflag:s9] =	ssyncadd.s32 $0xFFFFD800  }
0xac: {  	_ =	sfence.sel $0x180000  }
0xad: {  	[bflag:$0x0] =	sbarrier.arrive $0xFFFF  }
0xae: {  	p0 =	sne.s32 s1, $0x0;
	_ =	strace $0x90000047  }
0xaf: {  	s0 =	sadd.s32 @!p0 $0x100000, s0;
	[bflag:$0x2] =	sbarrier.arrive $0xFFFF  }
0xb0: {  	[sflag:s0] =	ssyncadd.tile.s32 @!p0 $0x1;
	_ =	shalt  }
.Lfunc_end2:
_tile_overlayer_lowered:
.L_overlay_start_2:
0xb1: {  	(tag) =	ssettag $0x2  }
0xb2: {  	s0 =	rddreg [dreg:$0x0];
	s2 =	stileid.u32  }
0xb3: {  	s1 =	rddreg [dreg:$0x1];
	p0 =	sne.s32 s2, $0x0  }
0xb4: {  	s3 =	rddreg [dreg:$0x2];
	[bflag:$0x3] =	sbarrier.arrive $0xFFFF;
	s2 =	simm.s32 @!p0 $0x1C01  }
0xb5: {  	[timem:s3], [sflag:s2] =	dma.local @!p0 [hbm:s0], s1  }
0xb6: {  	s0 =	simm.s32 @!p0 $0x1  }
0xb7: {  	_ =	swait.ge @!p0 [sflag:s0], s1  }
0xb8: {  	s1 =	ssub.s32 @!p0 $0x0, s1;
	[sflag:s0] =	ssyncset.done @!p0 $0x0  }
0xb9: {  	[sflag:s0] =	ssyncadd.s32 @!p0 s1  }
0xba: {  	[bflag:$0x3] =	sbarrier.arrive $0xFFFF  }
0xbb: {  	_ =	shalt  }

</sc_bundles>
